<compile_context>
chip_gen: v7x
topology: tpu7x:2x2x1
jax: 0.10.2.dev20260603
libtpu: 0.0.44.dev20260713+nightly
codegen_flags: <defaults>
</compile_context>

<pallas_src>
import functools

import jax
import jax.numpy as jnp
from jax import lax
from jax.experimental import pallas as pl
from jax.experimental.pallas import tpu as pltpu
from jax.experimental.pallas import tpu_sc as plsc

_N = 10000
_E = 320000
_D = 128
_H = 4
_C = 32

_NPAD = 10240
_NWORKERS = 32
_CHUNK = _E // _NWORKERS
_LANES = 16

_BLK = 10000


def _sc_indicator_body(edge_hbm, out_hbm, idx_v, table_v):
    wid = lax.axis_index("s") * 2 + lax.axis_index("c")

    def run(sem):
        cp = pltpu.make_async_copy(
            edge_hbm.at[pl.ds(_E + wid * _CHUNK, _CHUNK)], idx_v, sem)
        cp.start()

        zeros = jnp.zeros((_LANES,), jnp.float32)

        @plsc.parallel_loop(0, _NPAD // _LANES, unroll=8)
        def zero_body(i):
            table_v[pl.ds(i * _LANES, _LANES)] = zeros

        cp.wait()

    pl.run_scoped(run, pltpu.SemaphoreType.DMA)

    ones = jnp.ones((_LANES,), jnp.float32)

    @plsc.parallel_loop(0, _CHUNK // _LANES, unroll=8)
    def scat_body(i):
        idx = idx_v[pl.ds(i * _LANES, _LANES)]
        plsc.store_scatter(table_v, [idx], ones)

    pltpu.sync_copy(table_v, out_hbm.at[wid])


_sc_indicator = pl.kernel(
    _sc_indicator_body,
    out_type=jax.ShapeDtypeStruct((_NWORKERS, _NPAD), jnp.float32),
    mesh=plsc.VectorSubcoreMesh(core_axis_name="c", subcore_axis_name="s"),
    compiler_params=pltpu.CompilerParams(needs_layout_passes=False),
    scratch_types=[
        pltpu.VMEM((_CHUNK,), jnp.int32),
        pltpu.VMEM((_NPAD,), jnp.float32),
    ],
)


def _tc_fused_body(x_ref, wr_ref, br_ref, rar_ref, g_ref, b_ref, cnt_ref,
                   blk_ref, out_ref):
    k = jnp.dot(x_ref[...], wr_ref[...], preferred_element_type=jnp.float32)
    k = k + br_ref[...]
    s = jnp.sum(cnt_ref[...], axis=1, keepdims=True)
    u = (s <= 0.0).astype(jnp.float32)
    t = jax.nn.relu(k * rar_ref[...]) * u
    w0 = jax.nn.sigmoid(
        -jnp.dot(t, blk_ref[...], preferred_element_type=jnp.float32))
    out = jax.nn.relu(k * (1.0 - w0 * u))
    m = jnp.mean(out, axis=1, keepdims=True)
    c = out - m
    v = jnp.mean(c * c, axis=1, keepdims=True)
    out_ref[...] = c * lax.rsqrt(v + 1e-5) * g_ref[...] + b_ref[...]


_tc_fused = pl.pallas_call(
    _tc_fused_body,
    grid=(_N // _BLK,),
    in_specs=[
        pl.BlockSpec((_BLK, _D), lambda i: (i, 0)),
        pl.BlockSpec((_D, _D), lambda i: (0, 0)),
        pl.BlockSpec((1, _D), lambda i: (0, 0)),
        pl.BlockSpec((1, _D), lambda i: (0, 0)),
        pl.BlockSpec((1, _D), lambda i: (0, 0)),
        pl.BlockSpec((1, _D), lambda i: (0, 0)),
        pl.BlockSpec((_BLK, _NWORKERS), lambda i: (i, 0)),
        pl.BlockSpec((_D, _D), lambda i: (0, 0)),
    ],
    out_specs=pl.BlockSpec((_BLK, _D), lambda i: (i, 0)),
    out_shape=jax.ShapeDtypeStruct((_N, _D), jnp.float32),
)


def kernel(x, edge_index, Wl, bl, Wr, br, attn_l, attn_r, rel_attn_l,
           rel_attn_r, ln_gamma, ln_beta):
    del Wl, bl, attn_l, attn_r, rel_attn_l
    tables = _sc_indicator(edge_index.reshape(-1))
    cnt_t = tables.T

    hid = jnp.arange(_D, dtype=jnp.int32) // _C
    blk = (hid[:, None] == hid[None, :]).astype(jnp.float32)
    return _tc_fused(
        x, Wr,
        br.reshape(1, _D),
        rel_attn_r.reshape(1, _D),
        ln_gamma.reshape(1, _D),
        ln_beta.reshape(1, _D),
        cnt_t,
        blk,
    )

# --- scband reference (transcript-rebuilt; emitter-appended) ---
"""Pipeline reference for scband-latteconv-44547400794596 (READ-ONLY COPY).

The authoritative reference and input builder live on the scoring server;
editing this copy changes nothing except your own understanding.
"""

import jax, jax.numpy as jnp
import numpy as np

N = 10000
E = 320000
D_IN = 128
D_OUT = 128
H = 4
C = D_OUT // H


def setup_inputs(seed: int = 0) -> dict:
    key = jax.random.key(seed)
    ks = jax.random.split(key, 12)
    x = jax.random.normal(ks[0], (N, D_IN), dtype=jnp.float32)
    edge_index = jax.random.randint(ks[1], (2, E), 0, N, dtype=jnp.int32)
    Wl = jax.random.normal(ks[2], (D_IN, D_OUT), dtype=jnp.float32) * (1.0 / np.sqrt(D_IN))
    bl = jnp.zeros((D_OUT,), dtype=jnp.float32)
    Wr = jax.random.normal(ks[3], (D_IN, D_OUT), dtype=jnp.float32) * (1.0 / np.sqrt(D_IN))
    br = jnp.zeros((D_OUT,), dtype=jnp.float32)
    attn_l = jax.random.normal(ks[4], (H, C), dtype=jnp.float32) * 0.1
    attn_r = jax.random.normal(ks[5], (H, C), dtype=jnp.float32) * 0.1
    rel_attn_l = jax.random.normal(ks[6], (H, C), dtype=jnp.float32) * 0.1
    rel_attn_r = jax.random.normal(ks[7], (H, C), dtype=jnp.float32) * 0.1
    ln_gamma = jnp.ones((D_OUT,), dtype=jnp.float32)
    ln_beta = jnp.zeros((D_OUT,), dtype=jnp.float32)
    return {"x": x, "edge_index": edge_index, "Wl": Wl, "bl": bl, "Wr": Wr, "br": br,
            "attn_l": attn_l, "attn_r": attn_r, "rel_attn_l": rel_attn_l, "rel_attn_r": rel_attn_r,
            "ln_gamma": ln_gamma, "ln_beta": ln_beta}


def reference(x, edge_index, Wl, bl, Wr, br, attn_l, attn_r, rel_attn_l, rel_attn_r, ln_gamma, ln_beta):
    src = edge_index[0]
    dst = edge_index[1]
    # linear_l / linear_r projections -> multi-head views
    q = (x @ Wl + bl).reshape(N, H, C)
    k = (x @ Wr + br).reshape(N, H, C)
    # edge attention: (q_src * attn_l + k_dst * attn_r).sum(-1), LeakyReLU(0.2)
    att = ((q[src] * attn_l) + (k[dst] * attn_r)).sum(-1)  # [E, H]
    att = jax.nn.leaky_relu(att, negative_slope=0.2)
    # segment softmax over incoming edges per dst node
    att_max = jax.ops.segment_max(att, dst, num_segments=N)
    att_max = jnp.where(jnp.isfinite(att_max), att_max, 0.0)
    ex = jnp.exp(att - att_max[dst])
    denom = jax.ops.segment_sum(ex, dst, num_segments=N)
    alpha = ex / (denom[dst] + 1e-16)  # [E, H]
    # message is edges.dst['k'] (faithful to original edge_attention returning h=dst k)
    h_msg = k[dst]  # [E, H, C]
    agg = jax.ops.segment_sum(alpha[:, :, None] * h_msg, dst, num_segments=N)  # [N, H, C]
    # stack per-relation embeddings with self ('k') embedding
    h_out = jnp.stack([agg, k], axis=1)  # [N, 2, H, C]
    # beta weights (relation attention)
    query = h_out[:, -1]  # [N, H, C]
    beta_l = jax.nn.relu(query * rel_attn_l)         # [N, H, C]
    beta_r = jax.nn.relu(h_out * rel_attn_r)         # [N, 2, H, C]
    beta = (beta_l[:, None, :, :] + beta_r).sum(-1)  # [N, 2, H]
    beta = jax.nn.softmax(beta, axis=1)
    out = (h_out * beta[..., None]).sum(axis=1).reshape(N, D_OUT)
    # embedding activation (relu) + layernorm
    out = jax.nn.relu(out)
    mean = out.mean(-1, keepdims=True)
    var = out.var(-1, keepdims=True)
    out = (out - mean) / jnp.sqrt(var + 1e-5) * ln_gamma + ln_beta
    return out

if __name__ == "__main__":
    import jax
    _d = setup_inputs()
    print(jax.jit(kernel)(*tuple(_d.values())))

</pallas_src>

<mosaic_0001>
#map = affine_map<(d0, d1) -> (0)>
#map1 = affine_map<(d0, d1) -> (0, 0)>
module attributes {stable_mosaic.version = 14 : i64} {
  func.func @_sc_indicator_body(%arg0: i32, %arg1: i32, %arg2: memref<640000xi32, #tpu.memory_space<hbm>>, %arg3: memref<32x10240xf32, #tpu.memory_space<hbm>>, %arg4: memref<10000xi32, #tpu.memory_space<vmem>>, %arg5: memref<10240xf32, #tpu.memory_space<vmem>>) attributes {dimension_semantics = [#tpu.dimension_semantics<core_parallel>, #tpu.dimension_semantics<subcore_parallel>], iteration_bounds = array<i64: 2, 16>, scalar_prefetch = 0 : i64, scratch_operands = 2 : i64, tpu.core_type = #tpu.core_type<sc_vector_subcore>, window_params = [{transform_indices = #map}, {transform_indices = #map1}]} {
    %mul3A = arith.constant 2 : i32
    %mul3A_0 = arith.muli %arg1, %mul3A : i32
    %add3A = arith.addi %mul3A_0, %arg0 : i32
    "tpu.region"() ({
      %run_scoped3A = tpu.sem_alloc : memref<!tpu.dma_semaphore, #tpu.memory_space<semaphore_mem>>
      %mul3A_4 = arith.constant 10000 : i32
      %mul3A_5 = arith.muli %add3A, %mul3A_4 : i32
      %add3A_6 = arith.constant 320000 : i32
      %add3A_7 = arith.addi %add3A_6, %mul3A_5 : i32
      %dma_start3A = tpu.memref_slice %arg2[%add3A_7] : memref<640000xi32, #tpu.memory_space<hbm>> -> memref<10000xi32, #tpu.memory_space<hbm>>
      %dma_start3A_8 = tpu.memref_slice %arg2[%add3A_7] : memref<640000xi32, #tpu.memory_space<hbm>> -> memref<10000xi32, #tpu.memory_space<hbm>>
      tpu.enqueue_dma source(%dma_start3A_8 : memref<10000xi32, #tpu.memory_space<hbm>>) target(%arg4 : memref<10000xi32, #tpu.memory_space<vmem>>) target_semaphore(%run_scoped3A : memref<!tpu.dma_semaphore, #tpu.memory_space<semaphore_mem>>)
      %broadcast_in_dim3A_9 = arith.constant 0.000000e+00 : f32
      %broadcast_in_dim3A_10 = vector.broadcast %broadcast_in_dim3A_9 : f32 to vector<16xf32>
      %parallel_loop3A_11 = arith.constant 0 : i32
      %parallel_loop3A_12 = arith.constant 640 : i32
      %parallel_loop3A_13 = arith.constant 1 : i32
      scf.for %parallel_loop3A_15 = %parallel_loop3A_11 to %parallel_loop3A_12 step %parallel_loop3A_13  : i32 {
        %parallel_loop3A_16 = arith.constant 16 : i32
        %parallel_loop3A_17 = arith.muli %parallel_loop3A_15, %parallel_loop3A_16 : i32
        %parallel_loop3A_18 = arith.index_cast %parallel_loop3A_17 : i32 to index
        %parallel_loop3A_19 = tpu.vector_load %arg5[%parallel_loop3A_18] {strides = array<i32>} : memref<10240xf32, #tpu.memory_space<vmem>>, vector<16xf32>,
        tpu.vector_store %arg5[%parallel_loop3A_18], %broadcast_in_dim3A_10 {strides = array<i32>} : memref<10240xf32, #tpu.memory_space<vmem>>, vector<16xf32>,
      } {sc.loop_unroll_factor = 8 : i64, sc.parallel_access}
      %dma_wait3A = tpu.memref_slice %arg2[%add3A_7] : memref<640000xi32, #tpu.memory_space<hbm>> -> memref<10000xi32, #tpu.memory_space<hbm>>
      %dma_wait3A_14 = tpu.memref_slice %arg2[%add3A_7] : memref<640000xi32, #tpu.memory_space<hbm>> -> memref<10000xi32, #tpu.memory_space<hbm>>
      tpu.wait_dma2 semaphore(%run_scoped3A : memref<!tpu.dma_semaphore, #tpu.memory_space<semaphore_mem>>) src(%dma_wait3A_14 : memref<10000xi32, #tpu.memory_space<hbm>>) dst(%arg4 : memref<10000xi32, #tpu.memory_space<vmem>>)
      tpu.yield
    }) : () -> ()
    %broadcast_in_dim3A = arith.constant 1.000000e+00 : f32
    %broadcast_in_dim3A_1 = vector.broadcast %broadcast_in_dim3A : f32 to vector<16xf32>
    %parallel_loop3A = arith.constant 0 : i32
    %parallel_loop3A_2 = arith.constant 625 : i32
    %parallel_loop3A_3 = arith.constant 1 : i32
    scf.for %parallel_loop3A_4 = %parallel_loop3A to %parallel_loop3A_2 step %parallel_loop3A_3  : i32 {
      %parallel_loop3A_5 = arith.constant 16 : i32
      %parallel_loop3A_6 = arith.muli %parallel_loop3A_4, %parallel_loop3A_5 : i32
      %parallel_loop3A_7 = arith.index_cast %parallel_loop3A_6 : i32 to index
      %parallel_loop3A_8 = tpu.vector_load %arg4[%parallel_loop3A_7] {strides = array<i32>} : memref<10000xi32, #tpu.memory_space<vmem>>, vector<16xi32>,
      tpu.vector_store_idx %arg5[%parallel_loop3A_8], %broadcast_in_dim3A_1 : memref<10240xf32, #tpu.memory_space<vmem>>[vector<16xi32>], vector<16xf32>,
    } {sc.loop_unroll_factor = 8 : i64, sc.parallel_access}
    "tpu.region"() ({
      %run_scoped3A = tpu.sem_alloc : memref<!tpu.dma_semaphore, #tpu.memory_space<semaphore_mem>>
      %dma_start3A = arith.constant 0 : i32
      %dma_start3A_4 = tpu.memref_slice %arg3[%add3A, %dma_start3A] : memref<32x10240xf32, #tpu.memory_space<hbm>> -> memref<1x10240xf32, #tpu.memory_space<hbm>>
      %dma_start3A_5 = tpu.memref_squeeze %dma_start3A_4 : memref<1x10240xf32, #tpu.memory_space<hbm>> -> memref<10240xf32, #tpu.memory_space<hbm>>
      %dma_start3A_6 = arith.constant 0 : i32
      %dma_start3A_7 = tpu.memref_slice %arg3[%add3A, %dma_start3A_6] : memref<32x10240xf32, #tpu.memory_space<hbm>> -> memref<1x10240xf32, #tpu.memory_space<hbm>>
      %dma_start3A_8 = tpu.memref_squeeze %dma_start3A_7 : memref<1x10240xf32, #tpu.memory_space<hbm>> -> memref<10240xf32, #tpu.memory_space<hbm>>
      tpu.enqueue_dma source(%arg5 : memref<10240xf32, #tpu.memory_space<vmem>>) target(%dma_start3A_8 : memref<10240xf32, #tpu.memory_space<hbm>>) target_semaphore(%run_scoped3A : memref<!tpu.dma_semaphore, #tpu.memory_space<semaphore_mem>>)
      %dma_wait3A = arith.constant 0 : i32
      %dma_wait3A_9 = tpu.memref_slice %arg3[%add3A, %dma_wait3A] : memref<32x10240xf32, #tpu.memory_space<hbm>> -> memref<1x10240xf32, #tpu.memory_space<hbm>>
      %dma_wait3A_10 = tpu.memref_squeeze %dma_wait3A_9 : memref<1x10240xf32, #tpu.memory_space<hbm>> -> memref<10240xf32, #tpu.memory_space<hbm>>
      %dma_wait3A_11 = arith.constant 0 : i32
      %dma_wait3A_12 = tpu.memref_slice %arg3[%add3A, %dma_wait3A_11] : memref<32x10240xf32, #tpu.memory_space<hbm>> -> memref<1x10240xf32, #tpu.memory_space<hbm>>
      %dma_wait3A_13 = tpu.memref_squeeze %dma_wait3A_12 : memref<1x10240xf32, #tpu.memory_space<hbm>> -> memref<10240xf32, #tpu.memory_space<hbm>>
      tpu.wait_dma2 semaphore(%run_scoped3A : memref<!tpu.dma_semaphore, #tpu.memory_space<semaphore_mem>>) src(%arg5 : memref<10240xf32, #tpu.memory_space<vmem>>) dst(%dma_wait3A_13 : memref<10240xf32, #tpu.memory_space<hbm>>)
      tpu.yield
    }) : () -> ()
    return
  }
}

module attributes {stable_mosaic.version = 14 : i64} {
  func.func @_tc_fused_body(%arg0: i32, %arg1: memref<10000x128xf32, #tpu.memory_space<vmem>>, %arg2: memref<128x128xf32, #tpu.memory_space<vmem>>, %arg3: memref<1x128xf32, #tpu.memory_space<vmem>>, %arg4: memref<1x128xf32, #tpu.memory_space<vmem>>, %arg5: memref<1x128xf32, #tpu.memory_space<vmem>>, %arg6: memref<1x128xf32, #tpu.memory_space<vmem>>, %arg7: memref<10000x32xf32, #tpu.memory_space<vmem>>, %arg8: memref<128x128xf32, #tpu.memory_space<vmem>>, %arg9: memref<10000x128xf32, #tpu.memory_space<vmem>>) attributes {dimension_semantics = [#tpu.dimension_semantics<arbitrary>], iteration_bounds = array<i64: 1>, scalar_prefetch = 0 : i64, scratch_operands = 0 : i64, tpu.core_type = #tpu.core_type<tc>, window_params = [{transform_indices = @transform_0, window_bounds = array<i64: 10000, 128>}, {pipeline_mode = #tpu.pipeline_mode<synchronous>, transform_indices = @transform_1, window_bounds = array<i64: 128, 128>}, {pipeline_mode = #tpu.pipeline_mode<synchronous>, transform_indices = @transform_2, window_bounds = array<i64: 1, 128>}, {pipeline_mode = #tpu.pipeline_mode<synchronous>, transform_indices = @transform_3, window_bounds = array<i64: 1, 128>}, {pipeline_mode = #tpu.pipeline_mode<synchronous>, transform_indices = @transform_4, window_bounds = array<i64: 1, 128>}, {pipeline_mode = #tpu.pipeline_mode<synchronous>, transform_indices = @transform_5, window_bounds = array<i64: 1, 128>}, {transform_indices = @transform_6, window_bounds = array<i64: 10000, 32>}, {pipeline_mode = #tpu.pipeline_mode<synchronous>, transform_indices = @transform_7, window_bounds = array<i64: 128, 128>}, {transform_indices = @transform_8, window_bounds = array<i64: 10000, 128>}]} {
    %get3A = arith.constant 0 : index
    %get3A_0 = arith.constant 0 : index
    %get3A_1 = vector.load %arg1[%get3A, %get3A_0] : memref<10000x128xf32, #tpu.memory_space<vmem>>, vector<10000x128xf32>
    %get3A_2 = arith.constant 0 : index
    %get3A_3 = arith.constant 0 : index
    %get3A_4 = vector.load %arg2[%get3A_2, %get3A_3] : memref<128x128xf32, #tpu.memory_space<vmem>>, vector<128x128xf32>
    %dot_general3A = arith.constant dense<0.000000e+00> : vector<10000x128xf32>
    %dot_general3A_5 = tpu.matmul %get3A_1, %get3A_4, %dot_general3A {dimension_numbers = #tpu.dot_dimension_numbers<[1], [0], [0], [1], [0, 0, 1, 1], [], []>, transpose_lhs_hint = false} : vector<10000x128xf32>, vector<128x128xf32>, vector<10000x128xf32> -> vector<10000x128xf32>
    %get3A_6 = arith.constant 0 : index
    %get3A_7 = arith.constant 0 : index
    %get3A_8 = vector.load %arg3[%get3A_6, %get3A_7] : memref<1x128xf32, #tpu.memory_space<vmem>>, vector<1x128xf32>
    %add3A = vector.broadcast %get3A_8 : vector<1x128xf32> to vector<10000x128xf32>
    %add3A_9 = arith.addf %dot_general3A_5, %add3A : vector<10000x128xf32>
    %get3A_10 = arith.constant 0 : index
    %get3A_11 = arith.constant 0 : index
    %get3A_12 = vector.load %arg7[%get3A_10, %get3A_11] : memref<10000x32xf32, #tpu.memory_space<vmem>>, vector<10000x32xf32>
    %reduce_sum3A = arith.constant dense<0.000000e+00> : vector<10000xf32>
    %reduce_sum3A_13 = vector.multi_reduction <add>, %get3A_12, %reduce_sum3A [1] : vector<10000x32xf32> to vector<10000xf32>
    %broadcast_in_dim3A = vector.shape_cast %reduce_sum3A_13 : vector<10000xf32> to vector<10000x1xf32>
    %le3A = arith.constant 0.000000e+00 : f32
    %le3A_14 = vector.broadcast %le3A : f32 to vector<10000x1xf32>
    %le3A_15 = arith.cmpf ole, %broadcast_in_dim3A, %le3A_14 : vector<10000x1xf32>
    %convert_element_type3A = arith.extui %le3A_15 : vector<10000x1xi1> to vector<10000x1xi32>
    %convert_element_type3A_16 = arith.sitofp %convert_element_type3A : vector<10000x1xi32> to vector<10000x1xf32>
    %get3A_17 = arith.constant 0 : index
    %get3A_18 = arith.constant 0 : index
    %get3A_19 = vector.load %arg4[%get3A_17, %get3A_18] : memref<1x128xf32, #tpu.memory_space<vmem>>, vector<1x128xf32>
    %mul3A = vector.broadcast %get3A_19 : vector<1x128xf32> to vector<10000x128xf32>
    %mul3A_20 = arith.mulf %add3A_9, %mul3A : vector<10000x128xf32>
    %max3A = arith.constant 0.000000e+00 : f32
    %max3A_21 = vector.broadcast %max3A : f32 to vector<10000x128xf32>
    %max3A_22 = arith.maximumf %mul3A_20, %max3A_21 : vector<10000x128xf32>
    %mul3A_23 = vector.broadcast %convert_element_type3A_16 : vector<10000x1xf32> to vector<10000x128xf32>
    %mul3A_24 = arith.mulf %max3A_22, %mul3A_23 : vector<10000x128xf32>
    %get3A_25 = arith.constant 0 : index
    %get3A_26 = arith.constant 0 : index
    %get3A_27 = vector.load %arg8[%get3A_25, %get3A_26] : memref<128x128xf32, #tpu.memory_space<vmem>>, vector<128x128xf32>
    %dot_general3A_28 = arith.constant dense<0.000000e+00> : vector<10000x128xf32>
    %dot_general3A_29 = tpu.matmul %mul3A_24, %get3A_27, %dot_general3A_28 {dimension_numbers = #tpu.dot_dimension_numbers<[1], [0], [0], [1], [0, 0, 1, 1], [], []>, transpose_lhs_hint = false} : vector<10000x128xf32>, vector<128x128xf32>, vector<10000x128xf32> -> vector<10000x128xf32>
    %neg3A = arith.constant 0.000000e+00 : f32
    %neg3A_30 = vector.broadcast %neg3A : f32 to vector<10000x128xf32>
    %neg3A_31 = arith.subf %neg3A_30, %dot_general3A_29 : vector<10000x128xf32>
    %logistic3A = arith.negf %neg3A_31 : vector<10000x128xf32>
    %logistic3A_32 = math.exp %logistic3A : vector<10000x128xf32>
    %logistic3A_33 = arith.constant 1.000000e+00 : f32
    %logistic3A_34 = vector.broadcast %logistic3A_33 : f32 to vector<10000x128xf32>
    %logistic3A_35 = arith.addf %logistic3A_34, %logistic3A_32 : vector<10000x128xf32>
    %logistic3A_36 = arith.divf %logistic3A_34, %logistic3A_35 : vector<10000x128xf32>
    %mul3A_37 = vector.broadcast %convert_element_type3A_16 : vector<10000x1xf32> to vector<10000x128xf32>
    %mul3A_38 = arith.mulf %logistic3A_36, %mul3A_37 : vector<10000x128xf32>
    %sub3A = arith.constant 1.000000e+00 : f32
    %sub3A_39 = vector.broadcast %sub3A : f32 to vector<10000x128xf32>
    %sub3A_40 = arith.subf %sub3A_39, %mul3A_38 : vector<10000x128xf32>
    %mul3A_41 = arith.mulf %add3A_9, %sub3A_40 : vector<10000x128xf32>
    %max3A_42 = arith.constant 0.000000e+00 : f32
    %max3A_43 = vector.broadcast %max3A_42 : f32 to vector<10000x128xf32>
    %max3A_44 = arith.maximumf %mul3A_41, %max3A_43 : vector<10000x128xf32>
    %reduce_sum3A_45 = arith.constant dense<0.000000e+00> : vector<10000xf32>
    %reduce_sum3A_46 = vector.multi_reduction <add>, %max3A_44, %reduce_sum3A_45 [1] : vector<10000x128xf32> to vector<10000xf32>
    %broadcast_in_dim3A_47 = vector.shape_cast %reduce_sum3A_46 : vector<10000xf32> to vector<10000x1xf32>
    %div3A = arith.constant 1.280000e+02 : f32
    %div3A_48 = vector.broadcast %div3A : f32 to vector<10000x1xf32>
    %div3A_49 = arith.divf %broadcast_in_dim3A_47, %div3A_48 : vector<10000x1xf32>
    %sub3A_50 = vector.broadcast %div3A_49 : vector<10000x1xf32> to vector<10000x128xf32>
    %sub3A_51 = arith.subf %max3A_44, %sub3A_50 : vector<10000x128xf32>
    %mul3A_52 = arith.mulf %sub3A_51, %sub3A_51 : vector<10000x128xf32>
    %reduce_sum3A_53 = arith.constant dense<0.000000e+00> : vector<10000xf32>
    %reduce_sum3A_54 = vector.multi_reduction <add>, %mul3A_52, %reduce_sum3A_53 [1] : vector<10000x128xf32> to vector<10000xf32>
    %broadcast_in_dim3A_55 = vector.shape_cast %reduce_sum3A_54 : vector<10000xf32> to vector<10000x1xf32>
    %div3A_56 = arith.constant 1.280000e+02 : f32
    %div3A_57 = vector.broadcast %div3A_56 : f32 to vector<10000x1xf32>
    %div3A_58 = arith.divf %broadcast_in_dim3A_55, %div3A_57 : vector<10000x1xf32>
    %add3A_59 = arith.constant 9.99999974E-6 : f32
    %add3A_60 = vector.broadcast %add3A_59 : f32 to vector<10000x1xf32>
    %add3A_61 = arith.addf %div3A_58, %add3A_60 : vector<10000x1xf32>
    %rsqrt3A = math.rsqrt %add3A_61 : vector<10000x1xf32>
    %mul3A_62 = vector.broadcast %rsqrt3A : vector<10000x1xf32> to vector<10000x128xf32>
    %mul3A_63 = arith.mulf %sub3A_51, %mul3A_62 : vector<10000x128xf32>
    %get3A_64 = arith.constant 0 : index
    %get3A_65 = arith.constant 0 : index
    %get3A_66 = vector.load %arg5[%get3A_64, %get3A_65] : memref<1x128xf32, #tpu.memory_space<vmem>>, vector<1x128xf32>
    %mul3A_67 = vector.broadcast %get3A_66 : vector<1x128xf32> to vector<10000x128xf32>
    %mul3A_68 = arith.mulf %mul3A_63, %mul3A_67 : vector<10000x128xf32>
    %get3A_69 = arith.constant 0 : index
    %get3A_70 = arith.constant 0 : index
    %get3A_71 = vector.load %arg6[%get3A_69, %get3A_70] : memref<1x128xf32, #tpu.memory_space<vmem>>, vector<1x128xf32>
    %add3A_72 = vector.broadcast %get3A_71 : vector<1x128xf32> to vector<10000x128xf32>
    %add3A_73 = arith.addf %mul3A_68, %add3A_72 : vector<10000x128xf32>
    %swap3A = arith.constant 0 : index
    %swap3A_74 = arith.constant 0 : index
    %swap3A_75 = vector.load %arg9[%swap3A, %swap3A_74] : memref<10000x128xf32, #tpu.memory_space<vmem>>, vector<10000x128xf32>
    tpu.vector_store %arg9[%swap3A, %swap3A_74], %add3A_73 {strides = array<i32>} : memref<10000x128xf32, #tpu.memory_space<vmem>>, vector<10000x128xf32>,
    return
  }
  func.func @transform_0(%arg0: i32) -> (i32, i32) {
    %c0_i32 = arith.constant 0 : i32
    %c0_i32_0 = arith.constant 0 : i32
    return %arg0, %c0_i32 : i32, i32
  }
  func.func @transform_1(%arg0: i32) -> (i32, i32) {
    %c0_i32 = arith.constant 0 : i32
    %c0_i32_0 = arith.constant 0 : i32
    %c0_i32_1 = arith.constant 0 : i32
    return %c0_i32, %c0_i32_0 : i32, i32
  }
  func.func @transform_2(%arg0: i32) -> (i32, i32) {
    %c0_i32 = arith.constant 0 : i32
    %c0_i32_0 = arith.constant 0 : i32
    %c0_i32_1 = arith.constant 0 : i32
    return %c0_i32, %c0_i32_0 : i32, i32
  }
  func.func @transform_3(%arg0: i32) -> (i32, i32) {
    %c0_i32 = arith.constant 0 : i32
    %c0_i32_0 = arith.constant 0 : i32
    %c0_i32_1 = arith.constant 0 : i32
    return %c0_i32, %c0_i32_0 : i32, i32
  }
  func.func @transform_4(%arg0: i32) -> (i32, i32) {
    %c0_i32 = arith.constant 0 : i32
    %c0_i32_0 = arith.constant 0 : i32
    %c0_i32_1 = arith.constant 0 : i32
    return %c0_i32, %c0_i32_0 : i32, i32
  }
  func.func @transform_5(%arg0: i32) -> (i32, i32) {
    %c0_i32 = arith.constant 0 : i32
    %c0_i32_0 = arith.constant 0 : i32
    %c0_i32_1 = arith.constant 0 : i32
    return %c0_i32, %c0_i32_0 : i32, i32
  }
  func.func @transform_6(%arg0: i32) -> (i32, i32) {
    %c0_i32 = arith.constant 0 : i32
    %c0_i32_0 = arith.constant 0 : i32
    return %arg0, %c0_i32 : i32, i32
  }
  func.func @transform_7(%arg0: i32) -> (i32, i32) {
    %c0_i32 = arith.constant 0 : i32
    %c0_i32_0 = arith.constant 0 : i32
    %c0_i32_1 = arith.constant 0 : i32
    return %c0_i32, %c0_i32_0 : i32, i32
  }
  func.func @transform_8(%arg0: i32) -> (i32, i32) {
    %c0_i32 = arith.constant 0 : i32
    %c0_i32_0 = arith.constant 0 : i32
    return %arg0, %c0_i32 : i32, i32
  }
}

</mosaic_0001>

<sc_bundles>
// kernel: kernel.4.cloned.1.call-start
scs
__scs_entry_jumppad:
0x0: {  	(pc) =	sbr.rel $0x88, $3  }
0x1: {  	(tag) =	ssettag $0x0;
	lr =	simm.s32 $0x1  }
0x2: {  	[smem:$0x3F9A] =	sst lr;
	_ =	strace $0xD0000000  }
0x3: {  	_ = 	snop  }
0x4: {  	_ = 	snop  }
0x5: {  	_ = 	snop  }
0x6: {  	_ = 	snop  }
0x7: {  	_ = 	snop  }
__scs_overlays_trampoline_lowered:
0x8: {  	[smem:$0x3FA9] =	sst s0  }
0x9: {  	[smem:$0x3FAA] =	sst s1  }
0xa: {  	[smem:$0x3FAB] =	sst s2  }
0xb: {  	[smem:$0x3FAC] =	sst s3  }
0xc: {  	[smem:$0x3FAD] =	sst s4  }
0xd: {  	[smem:$0x3FAE] =	sst s5  }
0xe: {  	[smem:$0x3FAF] =	sst s6  }
0xf: {  	[smem:$0x3FB0] =	sst s7  }
0x10: {  	[smem:$0x3FB1] =	sst s8  }
0x11: {  	[smem:$0x3FB2] =	sst s9;
	s0 =	simm.s32 @!p0 $0x0  }
0x12: {  	s1 =	sld [smem:$0x3F98];
	s0 =	simm.s32 @p0 $0x1  }
0x13: {  	[smem:$0x3FB3] =	sst s0;
	s0 =	simm.s32 @!p1 $0x0  }
0x14: {  	s2 =	sld [smem:$0x3F97];
	s0 =	simm.s32 @p1 $0x1  }
0x15: {  	[smem:$0x3FB4] =	sst s0;
	s0 =	simm.s32 @!p2 $0x0  }
0x16: {  	s3 =	sld [smem:$0x3FDB];
	s0 =	simm.s32 @p2 $0x1  }
0x17: {  	s4 =	simm.s32 $0x1BF5;
	[smem:$0x3FB6] =	sst s0  }
0x18: {  	s0 =	sld [smem:$0x3F99];
	_ =	swait.ge [sflag:s4], $0x0  }
0x19: {  	s7 =	sld [smem:$0x3F9A]  }
0x1a: {  	s8 =	sadd.s32 $0xFFFFE003, lr  }
0x1b: {  	s9 =	sadd.s32 $0xFFFFFEF7, lr;
	s5 =	simm.s32 $0xFFFFFFFF;
	p2 =	slt.u32 s8, $0xFFFFF086  }
0x1c: {  	p1 =	slt.u32 s9, $0xF7A;
	s5 =	simm.s32 @!p2 $0x0  }
0x1d: {  	s5 =	simm.s32 @p1 $0x1;
	p0 =	seq.s32 s7, s2  }
0x1e: {  	s7 =	smul.u32 @!p0 $0xF7A, s2;
	p2 =	seq.s32 @!p0 s5, $0x0  }
0x1f: {  	s9 =	smul.u32 $0xF7A, s1;
	s8 =	simm.s32 @!p0 $0x1BF5;
	p2 =	por !p2, p0  }
0x20: {  	[sflag:s8] =	ssyncset.s32 @!p0 $0xFFFFF086;
	s6 =	sadd.s32 @!p0 s3, s7;
	s7 =	simm.s32 @!p0 $0x108  }
0x21: {  	s3 =	sadd.s32 s3, s9;
	s6 =	sadd.s32 @!p0 $0x88, s6;
	s7 =	simm.s32 @p2 $0x1082  }
0x22: {  	[simem:s7], [sflag:s8] =	dma.local @!p0 [hbm:s6], $0xF7A  }
0x23: {  	s9 =	sor.u32 $0xD0000000, s2;
	s6 =	simm.s32 $0x108;
	_ =	swait.ge @!p0 [sflag:s8], $0x0  }
0x24: {  	s3 =	sadd.s32 $0x88, s3;
	s6 =	simm.s32 @!p1 $0x1082;
	[sflag:s4] =	ssyncset.s32 $0xFFFFF086  }
0x25: {  	[simem:s6], [sflag:s4] =	dma.local [hbm:s3], $0xF7A  }
0x26: {  	[smem:$0x3F9A] =	sst s1;
	(tag) =	ssettag s2;
	_ =	strace s9  }
0x27: {  	s1 =	sld [smem:$0x3FAA]  }
0x28: {  	s2 =	sld [smem:$0x3FAB]  }
0x29: {  	s4 =	sld [smem:$0x3FAD]  }
0x2a: {  	p0 =	seq.s32 s5, $0x0;
	s5 =	sld [smem:$0x3FAE]  }
0x2b: {  	s6 =	sld [smem:$0x3FAF]  }
0x2c: {  	s7 =	sld [smem:$0x3FB0]  }
0x2d: {  	s3 =	simm.s32 $0x108;
	s8 =	sld [smem:$0x3FB1]  }
0x2e: {  	s3 =	simm.s32 @!p0 $0x1082;
	s9 =	sld [smem:$0x3FB2]  }
0x2f: {  	lr =	sadd.s32 s0, s3;
	s0 =	sld [smem:$0x3FA9]  }
0x30: {  	s3 =	sld [smem:$0x3FAC]  }
0x31: {  	[smem:$0x3FB5] =	sst s10  }
0x32: {  	s10 =	sld [smem:$0x3FB3];
	_ =	sdelay $0x3  }
0x33: {  	p0 =	seq.s32 s10, $0x1;
	s10 =	sld [smem:$0x3FB5];
	_ =	sdelay $0x3  }
0x34: {  	[smem:$0x3FB5] =	sst s10  }
0x35: {  	s10 =	sld [smem:$0x3FB4];
	_ =	sdelay $0x3  }
0x36: {  	p1 =	seq.s32 s10, $0x1;
	s10 =	sld [smem:$0x3FB5];
	_ =	sdelay $0x3  }
0x37: {  	[smem:$0x3FB5] =	sst s10  }
0x38: {  	s10 =	sld [smem:$0x3FB6]  }
0x39: {  	_ = 	snop;
	(pc) =	sbr.ind lr, $3  }
0x3a: {  	_ = 	snop  }
0x3b: {  	_ = 	snop  }
0x3c: {  	p2 =	seq.s32 s10, $0x1;
	s10 =	sld [smem:$0x3FB5]  }
0x3d: {  	_ =	shalt  }
0x3e: {  	_ =	shalt  }
0x3f: {  	_ =	shalt  }
0x40: {  	_ =	shalt  }
0x41: {  	_ =	shalt  }
0x42: {  	_ =	shalt  }
0x43: {  	_ =	shalt  }
0x44: {  	_ =	shalt  }
0x45: {  	_ =	shalt  }
0x46: {  	_ =	shalt  }
0x47: {  	_ =	shalt  }
0x48: {  	_ =	shalt  }
0x49: {  	_ =	shalt  }
0x4a: {  	_ =	shalt  }
0x4b: {  	_ =	shalt  }
0x4c: {  	_ =	shalt  }
0x4d: {  	_ =	shalt  }
0x4e: {  	_ =	shalt  }
0x4f: {  	_ =	shalt  }
0x50: {  	_ =	shalt  }
0x51: {  	_ =	shalt  }
0x52: {  	_ =	shalt  }
0x53: {  	_ =	shalt  }
0x54: {  	_ =	shalt  }
0x55: {  	_ =	shalt  }
0x56: {  	_ =	shalt  }
0x57: {  	_ =	shalt  }
0x58: {  	_ =	shalt  }
0x59: {  	_ =	shalt  }
0x5a: {  	_ =	shalt  }
0x5b: {  	_ =	shalt  }
0x5c: {  	_ =	shalt  }
0x5d: {  	_ =	shalt  }
0x5e: {  	_ =	shalt  }
0x5f: {  	_ =	shalt  }
0x60: {  	_ =	shalt  }
0x61: {  	_ =	shalt  }
0x62: {  	_ =	shalt  }
0x63: {  	_ =	shalt  }
0x64: {  	_ =	shalt  }
0x65: {  	_ =	shalt  }
0x66: {  	_ =	shalt  }
0x67: {  	_ =	shalt  }
0x68: {  	_ =	shalt  }
0x69: {  	_ =	shalt  }
0x6a: {  	_ =	shalt  }
0x6b: {  	_ =	shalt  }
0x6c: {  	_ =	shalt  }
0x6d: {  	_ =	shalt  }
0x6e: {  	_ =	shalt  }
0x6f: {  	_ =	shalt  }
0x70: {  	_ =	shalt  }
0x71: {  	_ =	shalt  }
0x72: {  	_ =	shalt  }
0x73: {  	_ =	shalt  }
0x74: {  	_ =	shalt  }
0x75: {  	_ =	shalt  }
0x76: {  	_ =	shalt  }
0x77: {  	_ =	shalt  }
0x78: {  	_ =	shalt  }
0x79: {  	_ =	shalt  }
0x7a: {  	_ =	shalt  }
0x7b: {  	_ =	shalt  }
0x7c: {  	_ =	shalt  }
0x7d: {  	_ =	shalt  }
0x7e: {  	_ =	shalt  }
0x7f: {  	_ =	shalt  }
0x80: {  	_ =	shalt  }
0x81: {  	_ =	shalt  }
0x82: {  	_ =	shalt  }
0x83: {  	_ =	shalt  }
0x84: {  	_ =	shalt  }
0x85: {  	_ =	shalt  }
0x86: {  	_ =	shalt  }
0x87: {  	_ =	shalt  }
.Lfunc_end0:
.L_simem_size_0:
called_computation_lowered:
.L_overlay_start_0:
0x88: {  	s2 =	sld [smem:$0x3FD9]  }
0x89: {  	s3 =	sld [smem:$0x3FFE];
	_ =	sdelay $0x1  }
0x8a: {  	s1 =	srdreg.scid  }
0x8b: {  	s0 =	sand.u32 $0x1, s1  }
0x8c: {  	s17 =	sshll.u32 s0, $0xA;
	s2 =	sadd.s32 s3, s2  }
0x8d: {  	s2 =	sadd.s32 s2, s17  }
0x8e: {  	[smem:$0x3FC1] =	sst s2  }
0x8f: {  	_ = 	snop  }
0x90: {  	s2 =	sld [smem:$0x3FD0];
	(tm) =	ssettm $0x1  }
0x91: {  	s18 =	sld [smem:$0x3FFB];
	_ =	sdelay $0x3  }
0x92: {  	_ =	strace s18  }
0x93: {  	s3 =	sld [smem:$0x3FFC];
	_ =	sdelay $0x3  }
0x94: {  	_ =	strace s3  }
0x95: {  	s3 =	sld [smem:$0x3FFD];
	_ =	sdelay $0x3  }
0x96: {  	_ =	strace s3  }
0x97: {  	_ =	strace $0x8FFFFFFF  }
0x98: {  	s19 =	sld [smem:$0x3FDB];
	_ =	sdelay $0x1  }
0x99: {  	s4 =	simm.s32 $_scs_section_size  }
0x9a: {  	s5 =	simm.s32 $_size__tile_overlayer_lowered;
	s6 =	simm.s32 $_tile_overlayer_lowered  }
0x9b: {  	s22 =	simm.s32 $0x1BFF;
	s21 =	sshll.u32 s6, $0x1;
	s3 =	sadd.s32 s4, s19  }
0x9c: {  	s7 =	simm.s32 $0x0;
	s20 =	sshll.u32 s5, $0x1;
	s5 =	sadd.s32 s21, s3  }
0x9d: {  	[timem:s7], [sflag:s22] =	dma.local [hbm:s5], s20  }
0x9e: {  	_ =	swait.ge [sflag:s22], s20  }
0x9f: {  	s4 =	ssub.s32 $0x0, s20;
	[sflag:s22] =	ssyncset.done $0x0  }
0xa0: {  	[sflag:s22] =	ssyncadd.s32 s4;
	_ =	sdelay $0x1  }
0xa1: {  	s23 =	simm.s32 $0x1B8B  }
0xa2: {  	_ =	swait.ge [sflag:s23], $0x1  }
0xa3: {  	[sflag:s23] =	ssyncset.done $0x0  }
0xa4: {  	s25 =	simm.s32 $0x1B8E;
	s24 =	sld [smem:$0x3FFE];
	[sflag:s23] =	ssyncadd.s32 $0xFFFFFFFF  }
0xa5: {  	s26 =	simm.s32 $execute0_lowered;
	[smem:$0x3FD2] =	sst s25  }
0xa6: {  	s5 =	sshll.u32 s26, $0x1;
	_ =	strace $0x80000046;
	[dreg:$0x1] =	wrdreg $0xFFFFFFFF  }
0xa7: {  	s28 =	simm.s32 $_size_execute0_lowered;
	s3 =	sadd.s32 s3, s5;
	[dreg:$0x0] =	wrdreg $0x0  }
0xa8: {  	s5 =	sshll.u32 s28, $0x1;
	[dreg:$0x2] =	wrdreg s3  }
0xa9: {  	[dreg:$0x3] =	wrdreg s5  }
0xaa: {  	[dreg:$0x4] =	wrdreg $0xC0  }
0xab: {  	_ =	task [dreg:s7], $0x5FFFF  }
0xac: {  	[dreg:$0x1] =	wrdreg $0xFFFFFFFF  }
0xad: {  	[dreg:$0x0] =	wrdreg $0x60  }
0xae: {  	[dreg:$0x2] =	wrdreg s2  }
0xaf: {  	[dreg:$0x3] =	wrdreg s24  }
0xb0: {  	[dreg:$0x4] =	wrdreg $0x9  }
0xb1: {  	_ =	task.clear_ibuf [dreg:s7], $0x5FFFF;
	_ =	strace $0x90000046  }
0xb2: {  	s29 =	simm.s32 $0x9;
	_ =	strace $0x80000048  }
0xb3: {  	_ =	swait.ge [sflag:s29], $0x1  }
0xb4: {  	[sflag:s29] =	ssyncadd.s32 $0xFFFFFFFF  }
0xb5: {  	_ =	strace $0x90000048  }
0xb6: {  	_ =	sfence  }
0xb7: {  	s30 =	sld [smem:$0x0];
	_ =	sdelay $0x2  }
0xb8: {  	s31 =	sshll.u32 s1, $0xD;
	s1 =	sshrl.u32 s1, $0x2  }
0xb9: {  	s3 =	sand.u32 $0x4000, s31;
	s1 =	sadd.s32 s1, s30  }
0xba: {  	s0 =	sor.u32 s3, s0;
	s1 =	sshll.u32 s1, $0x11  }
0xbb: {  	s0 =	sor.u32 s1, s0  }
0xbc: {  	s0 =	sadd.s32 $0x8F2B, s0  }
0xbd: {  	[sflag:s0] =	ssyncadd.remote.s32 $0x1  }
0xbe: {  	_ =	sfence.sel $0xFFFF  }
0xbf: {  	[dreg:$0x0] =	wrdreg $0xFFFFFFFF;
	(pc) =	sbr.abs _section_cstart, $3  }
0xc0: {  	[dreg:$0x1] =	wrdreg $0xFFFFFFFF  }
0xc1: {  	_ =	task.clear_ibuf [dreg:s7], $0x2FFFF;
	_ =	strace $0x9FFFFFFF  }
0xc2: {  	(tm) =	ssettm $0x7FFFFFFF  }
0xc3: {  	_ =	shalt  }
tec
execute0_lowered:
.L_overlay_start_1:
0x0: {  	(tag) =	ssettag $0x1  }
0x1: {  	s3 =	rddreg [dreg:$0x0];
	s1 =	srdreg.scid  }
0x2: {  	s0 =	stileid.u32;
	s4 =	rddreg [dreg:$0x1];
	s9 =	simm.s32 $0x400  }
0x3: {  	s10 =	simm.s32 $0x0;
	s5 =	sand.u32 $0x1, s1;
	s2 =	sshll.u32 s0, $0x1  }
0x4: {  	s1 =	rddreg [dreg:$0x2];
	s7 =	sshrl.u32 s0, $0x2;
	s6 =	sor.u32 s5, s2  }
0x5: {  	s2 =	simm.s32 $0x0;
	s7 =	smul.u32 $0x14000, s7;
	s5 =	ssub.s32 $0x2, s5  }
0x6: {  	s8 =	sshll.u32 s6, $0x7;
	[smem:$0x7FF] =	sst s2;
	s6 =	smul.u32 $0x2710, s6  }
0x7: {  	s31 =	sshrl.u32 s5, $0x1;
	s8 =	sand.u32 $0x380, s8;
	_ =	strace $0x80000047  }
0x8: {  	s5 =	ssub.s32 s5, s31;
	s7 =	sor.u32 s7, s8;
	s6 =	sshrl.u32 s6, $0x3  }
0x9: {  	s5 =	smax.u32 s5, $0x1;
	s8 =	simm.s32 $0x80;
	s7 =	sshrl.u32 s7, $0x3  }
0xa: {  	s3 =	sadd.s32 s3, s6;
	s6 =	simm.s32 $0x1;
	s4 =	sadd.s32 s7, s4  }
0xb: {  	v0 =	vimm.f32 $0.0e+00;
	v1 =	vimm.f32 $1.000000000e+00;
	s3 =	sadd.s32 $0x9C40, s3;
	s7 =	simm.s32 $0x2780;
	s4 =	sadd.s32 $0x1600, s4  }
.LBB2_1:
0xc: {  	[tilespmem:s2], [sflag:$0x1] =	stream.linear.gather [hbm4b:s3+s2], $0x2710, $0x38;
	[tilespmem:$0x4F80] =	vst v63  }
0xd: {  	s11 =	simm.s32 $0x27C0  }
0xe: {  	[tilespmem:s11+$0xFFFFFFC0] =	vst v0  }
0xf: {  	[tilespmem:s11+$0x30] =	vst v0  }
0x10: {  	[tilespmem:s11+$0x20] =	vst v0  }
0x11: {  	[tilespmem:s11+$0x10] =	vst v0  }
0x12: {  	[tilespmem:s11+$0x0] =	vst v0  }
0x13: {  	[tilespmem:s11+$0xFFFFFFF0] =	vst v0  }
0x14: {  	s12 =	simm.s32 $0x0;
	[tilespmem:s11+$0xFFFFFFE0] =	vst v0  }
.LBB2_2:
0x15: {  	s12 =	sadd.s32 $0x8, s12;
	[tilespmem:s11+$0xFFFFFFD0] =	vst v0;
	s11 =	sadd.s32 $0x80, s11  }
0x16: {  	[tilespmem:s11+$0xFFFFFFC0] =	vst v0;
	p0 =	slt.u32 s12, $0x278  }
0x17: {  	[tilespmem:s11+$0x30] =	vst v0  }
.Ltmp0:
0x18: {  	[tilespmem:s11+$0x20] =	vst v0;
	(pc) =	sbr.rel @p0 .LBB2_2-.Ltmp0, $4  }
0x19: {  	[tilespmem:s11+$0x10] =	vst v0  }
0x1a: {  	[tilespmem:s11+$0x0] =	vst v0  }
0x1b: {  	[tilespmem:s11+$0xFFFFFFF0] =	vst v0  }
0x1c: {  	[tilespmem:s11+$0xFFFFFFE0] =	vst v0  }
0x1d: {  	[tilespmem:s11+$0xFFFFFFD0] =	vst v0  }
0x1e: {  	_ =	swait.ge [sflag:s6], $0x2710  }
0x1f: {  	[sflag:s6] =	ssyncset.done $0x0  }
0x20: {  	s12 =	simm.s32 $0x40;
	[sflag:s6] =	ssyncadd.s32 $0xFFFFD8F0  }
0x21: {  	v2 =	vld [tilespmem:s12+$0x30]  }
0x22: {  	v3 =	vld [tilespmem:s12+$0xFFFFFFD0]  }
0x23: {  	v4 =	vld [tilespmem:s12+$0xFFFFFFE0]  }
0x24: {  	v5 =	vld [tilespmem:s12+$0xFFFFFFF0]  }
0x25: {  	v6 =	vld [tilespmem:s12+$0x0]  }
0x26: {  	v7 =	vld [tilespmem:s12+$0x10]  }
0x27: {  	v8 =	vld [tilespmem:s12+$0x20]  }
0x28: {  	s11 =	simm.s32 $0x0;
	v9 =	vld [tilespmem:s12+$0xFFFFFFC0];
	s12 =	simm.s32 $0xC0  }
.LBB2_4:
0x29: {  	s11 =	sadd.s32 $0x8, s11;
	[tilespmem:v2+s7+$0x0] =	vst.idx.msk $0xffff, v1;
	v2 =	vld [tilespmem:s12+$0x30]  }
0x2a: {  	p0 =	slt.u32 s11, $0x268;
	[tilespmem:v3+s7+$0x0] =	vst.idx.msk $0xffff, v1;
	v3 =	vld [tilespmem:s12+$0xFFFFFFD0]  }
0x2b: {  	[tilespmem:v4+s7+$0x0] =	vst.idx.msk $0xffff, v1;
	v4 =	vld [tilespmem:s12+$0xFFFFFFE0]  }
.Ltmp1:
0x2c: {  	[tilespmem:v5+s7+$0x0] =	vst.idx.msk $0xffff, v1;
	v5 =	vld [tilespmem:s12+$0xFFFFFFF0];
	(pc) =	sbr.rel @p0 .LBB2_4-.Ltmp1, $4  }
0x2d: {  	[tilespmem:v6+s7+$0x0] =	vst.idx.msk $0xffff, v1;
	v6 =	vld [tilespmem:s12+$0x0]  }
0x2e: {  	[tilespmem:v7+s7+$0x0] =	vst.idx.msk $0xffff, v1;
	v7 =	vld [tilespmem:s12+$0x10]  }
0x2f: {  	[tilespmem:v8+s7+$0x0] =	vst.idx.msk $0xffff, v1;
	v8 =	vld [tilespmem:s12+$0x20]  }
0x30: {  	[tilespmem:v9+s7+$0x0] =	vst.idx.msk $0xffff, v1;
	v9 =	vld [tilespmem:s12+$0xFFFFFFC0];
	s12 =	sadd.s32 $0x80, s12  }
0x31: {  	_ =	sdelay $0x3  }
0x32: {  	[tilespmem:v2+s7+$0x0] =	vst.idx.msk $0xffff, v1  }
0x33: {  	[tilespmem:v3+s7+$0x0] =	vst.idx.msk $0xffff, v1  }
0x34: {  	[tilespmem:v4+s7+$0x0] =	vst.idx.msk $0xffff, v1  }
0x35: {  	[tilespmem:v5+s7+$0x0] =	vst.idx.msk $0xffff, v1  }
0x36: {  	[tilespmem:v6+s7+$0x0] =	vst.idx.msk $0xffff, v1  }
0x37: {  	[tilespmem:v7+s7+$0x0] =	vst.idx.msk $0xffff, v1  }
0x38: {  	[tilespmem:v8+s7+$0x0] =	vst.idx.msk $0xffff, v1  }
0x39: {  	[tilespmem:v9+s7+$0x0] =	vst.idx.msk $0xffff, v1  }
0x3a: {  	v2 =	vld [tilespmem:$0x2700];
	_ =	sdelay $0x5  }
0x3b: {  	s10 =	sadd.s32 $0x1, s10  }
0x3c: {  	p0 =	sne.s32 s10, s5  }
.Ltmp2:
0x3d: {  	[tilespmem:v2+s7+$0x0] =	vst.idx.msk $0xffff, v1;
	(pc) =	sbr.rel @p0 .LBB2_1-.Ltmp2, $4  }
0x3e: {  	[hbm4b:s4+s8] =	stream.strided.scatter [tilespmem:s7], [sflag:$0x1], $0x2800, s9, s8, $0x38;
	[tilespmem:$0x4F80] =	vst v63  }
0x3f: {  	_ =	swait.ge [sflag:s6], $0x2800  }
0x40: {  	[sflag:s6] =	ssyncset.done $0x0  }
0x41: {  	[sflag:s6] =	ssyncadd.s32 $0xFFFFD800  }
0x42: {  	_ =	sfence.sel $0x180000  }
0x43: {  	[bflag:$0x0] =	sbarrier.arrive $0xFFFF  }
0x44: {  	p0 =	sne.s32 s0, $0x0;
	_ =	strace $0x90000047  }
0x45: {  	s0 =	sadd.s32 @!p0 $0x100000, s1;
	[bflag:$0x2] =	sbarrier.arrive $0xFFFF  }
0x46: {  	[sflag:s0] =	ssyncadd.tile.s32 @!p0 $0x1;
	_ =	shalt  }
.Lfunc_end2:
_tile_overlayer_lowered:
.L_overlay_start_2:
0x47: {  	(tag) =	ssettag $0x2  }
0x48: {  	s0 =	rddreg [dreg:$0x0];
	s2 =	stileid.u32  }
0x49: {  	s1 =	rddreg [dreg:$0x1];
	p0 =	sne.s32 s2, $0x0  }
0x4a: {  	s3 =	rddreg [dreg:$0x2];
	[bflag:$0x3] =	sbarrier.arrive $0xFFFF;
	s2 =	simm.s32 @!p0 $0x1C01  }
0x4b: {  	[timem:s3], [sflag:s2] =	dma.local @!p0 [hbm:s0], s1  }
0x4c: {  	s0 =	simm.s32 @!p0 $0x1  }
0x4d: {  	_ =	swait.ge @!p0 [sflag:s0], s1  }
0x4e: {  	s1 =	ssub.s32 @!p0 $0x0, s1;
	[sflag:s0] =	ssyncset.done @!p0 $0x0  }
0x4f: {  	[sflag:s0] =	ssyncadd.s32 @!p0 s1  }
0x50: {  	[bflag:$0x3] =	sbarrier.arrive $0xFFFF  }
0x51: {  	_ =	shalt  }

</sc_bundles>
